<compile_context>
chip_gen: v7x
topology: tpu7x:2x2x1
jax: 0.10.2.dev20260603
libtpu: 0.0.44.dev20260713+nightly
codegen_flags: <defaults>
</compile_context>

<pallas_src>
import functools

import jax
import jax.numpy as jnp
from jax import lax
from jax.experimental import pallas as pl
from jax.experimental.pallas import tpu as pltpu
from jax.experimental.pallas import tpu_sc as plsc

_N = 1024
_E = 16384

_NC = 2
_NS = 16
_NW = _NC * _NS
_ROWS = _N // _NW
_L = 16

@functools.lru_cache(maxsize=None)
def _build_adj_kernel():
    mesh = plsc.VectorSubcoreMesh(core_axis_name="c", subcore_axis_name="s")

    @functools.partial(
        pl.kernel,
        mesh=mesh,
        out_type=jax.ShapeDtypeStruct((_N, _N), jnp.float32),
        scratch_types=[
            pltpu.VMEM((_E,), jnp.int32),
            pltpu.VMEM((_E,), jnp.int32),
            pltpu.VMEM((_ROWS, _N), jnp.float32),
            pltpu.SemaphoreType.DMA,
            pltpu.SemaphoreType.DMA,
        ],
        compiler_params=pltpu.CompilerParams(needs_layout_passes=False),
    )
    def _build_adj(edge_hbm, out_hbm, src_v, dst_v, buf_v, sem_s, sem_d):
        wid = lax.axis_index("s") * _NC + lax.axis_index("c")
        base = wid * _ROWS

        cp_s = pltpu.make_async_copy(edge_hbm.at[0], src_v, sem_s)
        cp_d = pltpu.make_async_copy(edge_hbm.at[1], dst_v, sem_d)
        cp_s.start()
        cp_d.start()

        zeros = jnp.zeros((_L,), jnp.float32)

        @plsc.parallel_loop(0, (_ROWS * _N) // _L, unroll=16)
        def _zero(i):
            buf_v[i >> 6, pl.ds((i & 63) * _L, _L)] = zeros

        cp_s.wait()
        cp_d.wait()

        ones = jnp.ones((_L,), jnp.float32)

        @plsc.parallel_loop(0, _E // _L, unroll=16)
        def _scatter(i):
            s16 = src_v[pl.ds(i * _L, _L)]
            d16 = dst_v[pl.ds(i * _L, _L)]
            rel = d16 - base
            m = rel.astype(jnp.uint32) < jnp.uint32(_ROWS)
            plsc.store_scatter(buf_v, [rel, s16], ones, mask=m)

        pltpu.sync_copy(buf_v, out_hbm.at[pl.ds(base, _ROWS)])

    return _build_adj


def _cycle_body(b_ref, x_ref, out_ref):
    Bf = b_ref[...]
    r_io = lax.broadcasted_iota(jnp.int32, (_N, _N), 0)
    c_io = lax.broadcasted_iota(jnp.int32, (_N, _N), 1)
    eye = (r_io == c_io).astype(jnp.float32)
    BI = Bf + eye
    Bh = Bf.astype(jnp.bfloat16)
    T0 = lax.dot(Bh, BI.astype(jnp.bfloat16),
                 preferred_element_type=jnp.float32)
    G = ((T0 + BI) > 0).astype(jnp.bfloat16)
    F0 = lax.dot(Bh, G, preferred_element_type=jnp.float32)
    bcol = (x_ref[:, 127:128] > 0.5).astype(jnp.float32)
    brow = jnp.transpose(bcol, (1, 0))
    keep = (F0 > 0) & (brow > 0) & (Bf == 0) & (r_io != c_io)
    cnt = lax.dot(keep.astype(jnp.bfloat16), jnp.ones((_N, 1), jnp.bfloat16),
                  preferred_element_type=jnp.float32)
    out_ref[...] = jnp.transpose(cnt, (1, 0)).reshape(_N).astype(jnp.int32)


_cycle_call = pl.pallas_call(
    _cycle_body,
    out_shape=jax.ShapeDtypeStruct((_N,), jnp.int32),
)


def kernel(x, edge_index):
    b_mat = _build_adj_kernel()(edge_index)
    return _cycle_call(b_mat, x)

# --- scband reference (transcript-rebuilt; emitter-appended) ---
"""Pipeline reference for scband-cycle-ind-32504312496835 (READ-ONLY COPY).

The authoritative reference and input builder live on the scoring server;
editing this copy changes nothing except your own understanding.
"""

import jax, jax.numpy as jnp
import numpy as np

N_NODES = 1024
D_FEAT = 128
N_EDGES = 16384


def setup_inputs(seed: int = 0) -> dict:
    key = jax.random.key(seed)
    k1, k2 = jax.random.split(key)
    x = jax.random.normal(k1, (N_NODES, D_FEAT), dtype=jnp.float32)
    edge_index = jax.random.randint(k2, (2, N_EDGES), 0, N_NODES, dtype=jnp.int32)
    return {"x": x, "edge_index": edge_index}


def _propagate(x, src, dst, num_nodes):
    # message: (x_j > 0).float(); aggr='add' scatter into dst
    msg = (jnp.take(x, src, axis=0) > 0).astype(jnp.float32)
    return jax.ops.segment_sum(msg, dst, num_segments=num_nodes)


def _sim_pass(x, src, dst, num_nodes, inner):
    x_in = _propagate(x, src, dst, num_nodes)
    if inner:
        # torch bool + bool acts as logical OR
        return (x_in > 0) | (x > 0)
    return x_in


def reference(x, edge_index):
    n = x.shape[0]
    src = edge_index[0]
    dst = edge_index[1]
    ini_x = jnp.eye(n, dtype=jnp.float32)
    use_x = jnp.diag(jnp.ones(n, dtype=jnp.float32) * (x[:, -1] > 0.5))
    use_xp = _sim_pass(use_x, src, dst, n, inner=True)
    use_xp = _sim_pass(use_xp, src, dst, n, inner=True)
    cat = jnp.concatenate([ini_x, use_xp.astype(jnp.float32)], axis=1)
    use_xf = _sim_pass(cat, src, dst, n, inner=False)
    out_x = ((ini_x == 0) & (use_xf[:, :n] == 0) & (use_xf[:, n:] > 0)).sum(axis=1)
    return out_x


if False:  # reference __main__ guard neutralized (emitter)
    inp = setup_inputs()
    out = reference(**inp)
    print(out.shape, out.dtype)

if __name__ == "__main__":
    import jax
    _d = setup_inputs()
    print(jax.jit(kernel)(*tuple(_d.values())))

</pallas_src>

<mosaic_0001>
#map = affine_map<(d0, d1) -> (0, 0)>
module attributes {stable_mosaic.version = 14 : i64} {
  func.func @_build_adj(%arg0: i32, %arg1: i32, %arg2: memref<2x16384xi32, #tpu.memory_space<hbm>>, %arg3: memref<1024x1024xf32, #tpu.memory_space<hbm>>, %arg4: memref<16384xi32, #tpu.memory_space<vmem>>, %arg5: memref<16384xi32, #tpu.memory_space<vmem>>, %arg6: memref<32x1024xf32, #tpu.memory_space<vmem>>, %arg7: memref<!tpu.dma_semaphore, #tpu.memory_space<semaphore_mem>>, %arg8: memref<!tpu.dma_semaphore, #tpu.memory_space<semaphore_mem>>) attributes {dimension_semantics = [#tpu.dimension_semantics<core_parallel>, #tpu.dimension_semantics<subcore_parallel>], iteration_bounds = array<i64: 2, 16>, scalar_prefetch = 0 : i64, scratch_operands = 5 : i64, tpu.core_type = #tpu.core_type<sc_vector_subcore>, window_params = [{transform_indices = #map}, {transform_indices = #map}]} {
    %mul3A = arith.constant 2 : i32
    %mul3A_0 = arith.muli %arg1, %mul3A : i32
    %add3A = arith.addi %mul3A_0, %arg0 : i32
    %mul3A_1 = arith.constant 32 : i32
    %mul3A_2 = arith.muli %add3A, %mul3A_1 : i32
    %dma_start3A = arith.constant 0 : i32
    %dma_start3A_3 = arith.constant 0 : i32
    %dma_start3A_4 = tpu.memref_slice %arg2[%dma_start3A, %dma_start3A_3] : memref<2x16384xi32, #tpu.memory_space<hbm>> -> memref<1x16384xi32, #tpu.memory_space<hbm>>
    %dma_start3A_5 = tpu.memref_squeeze %dma_start3A_4 : memref<1x16384xi32, #tpu.memory_space<hbm>> -> memref<16384xi32, #tpu.memory_space<hbm>>
    %dma_start3A_6 = arith.constant 0 : i32
    %dma_start3A_7 = tpu.memref_slice %arg2[%dma_start3A, %dma_start3A_6] : memref<2x16384xi32, #tpu.memory_space<hbm>> -> memref<1x16384xi32, #tpu.memory_space<hbm>>
    %dma_start3A_8 = tpu.memref_squeeze %dma_start3A_7 : memref<1x16384xi32, #tpu.memory_space<hbm>> -> memref<16384xi32, #tpu.memory_space<hbm>>
    tpu.enqueue_dma source(%dma_start3A_8 : memref<16384xi32, #tpu.memory_space<hbm>>) target(%arg4 : memref<16384xi32, #tpu.memory_space<vmem>>) target_semaphore(%arg7 : memref<!tpu.dma_semaphore, #tpu.memory_space<semaphore_mem>>)
    %dma_start3A_9 = arith.constant 1 : i32
    %dma_start3A_10 = arith.constant 0 : i32
    %dma_start3A_11 = tpu.memref_slice %arg2[%dma_start3A_9, %dma_start3A_10] : memref<2x16384xi32, #tpu.memory_space<hbm>> -> memref<1x16384xi32, #tpu.memory_space<hbm>>
    %dma_start3A_12 = tpu.memref_squeeze %dma_start3A_11 : memref<1x16384xi32, #tpu.memory_space<hbm>> -> memref<16384xi32, #tpu.memory_space<hbm>>
    %dma_start3A_13 = arith.constant 0 : i32
    %dma_start3A_14 = tpu.memref_slice %arg2[%dma_start3A_9, %dma_start3A_13] : memref<2x16384xi32, #tpu.memory_space<hbm>> -> memref<1x16384xi32, #tpu.memory_space<hbm>>
    %dma_start3A_15 = tpu.memref_squeeze %dma_start3A_14 : memref<1x16384xi32, #tpu.memory_space<hbm>> -> memref<16384xi32, #tpu.memory_space<hbm>>
    tpu.enqueue_dma source(%dma_start3A_15 : memref<16384xi32, #tpu.memory_space<hbm>>) target(%arg5 : memref<16384xi32, #tpu.memory_space<vmem>>) target_semaphore(%arg8 : memref<!tpu.dma_semaphore, #tpu.memory_space<semaphore_mem>>)
    %broadcast_in_dim3A = arith.constant 0.000000e+00 : f32
    %broadcast_in_dim3A_16 = vector.broadcast %broadcast_in_dim3A : f32 to vector<16xf32>
    %parallel_loop3A = arith.constant 0 : i32
    %parallel_loop3A_17 = arith.constant 2048 : i32
    %parallel_loop3A_18 = arith.constant 1 : i32
    scf.for %parallel_loop3A_37 = %parallel_loop3A to %parallel_loop3A_17 step %parallel_loop3A_18  : i32 {
      %parallel_loop3A_38 = arith.constant 6 : i32
      %parallel_loop3A_39 = arith.shrsi %parallel_loop3A_37, %parallel_loop3A_38 : i32
      %parallel_loop3A_40 = arith.constant 63 : i32
      %parallel_loop3A_41 = arith.andi %parallel_loop3A_37, %parallel_loop3A_40 : i32
      %parallel_loop3A_42 = arith.constant 16 : i32
      %parallel_loop3A_43 = arith.muli %parallel_loop3A_41, %parallel_loop3A_42 : i32
      %parallel_loop3A_44 = arith.index_cast %parallel_loop3A_39 : i32 to index
      %parallel_loop3A_45 = arith.index_cast %parallel_loop3A_43 : i32 to index
      %parallel_loop3A_46 = tpu.vector_load %arg6[%parallel_loop3A_44, %parallel_loop3A_45] {strides = array<i32>} : memref<32x1024xf32, #tpu.memory_space<vmem>>, vector<16xf32>,
      tpu.vector_store %arg6[%parallel_loop3A_44, %parallel_loop3A_45], %broadcast_in_dim3A_16 {strides = array<i32>} : memref<32x1024xf32, #tpu.memory_space<vmem>>, vector<16xf32>,
    } {sc.loop_unroll_factor = 16 : i64, sc.parallel_access}
    %dma_wait3A = arith.constant 0 : i32
    %dma_wait3A_19 = arith.constant 0 : i32
    %dma_wait3A_20 = tpu.memref_slice %arg2[%dma_wait3A, %dma_wait3A_19] : memref<2x16384xi32, #tpu.memory_space<hbm>> -> memref<1x16384xi32, #tpu.memory_space<hbm>>
    %dma_wait3A_21 = tpu.memref_squeeze %dma_wait3A_20 : memref<1x16384xi32, #tpu.memory_space<hbm>> -> memref<16384xi32, #tpu.memory_space<hbm>>
    %dma_wait3A_22 = arith.constant 0 : i32
    %dma_wait3A_23 = tpu.memref_slice %arg2[%dma_wait3A, %dma_wait3A_22] : memref<2x16384xi32, #tpu.memory_space<hbm>> -> memref<1x16384xi32, #tpu.memory_space<hbm>>
    %dma_wait3A_24 = tpu.memref_squeeze %dma_wait3A_23 : memref<1x16384xi32, #tpu.memory_space<hbm>> -> memref<16384xi32, #tpu.memory_space<hbm>>
    tpu.wait_dma2 semaphore(%arg7 : memref<!tpu.dma_semaphore, #tpu.memory_space<semaphore_mem>>) src(%dma_wait3A_24 : memref<16384xi32, #tpu.memory_space<hbm>>) dst(%arg4 : memref<16384xi32, #tpu.memory_space<vmem>>)
    %dma_wait3A_25 = arith.constant 1 : i32
    %dma_wait3A_26 = arith.constant 0 : i32
    %dma_wait3A_27 = tpu.memref_slice %arg2[%dma_wait3A_25, %dma_wait3A_26] : memref<2x16384xi32, #tpu.memory_space<hbm>> -> memref<1x16384xi32, #tpu.memory_space<hbm>>
    %dma_wait3A_28 = tpu.memref_squeeze %dma_wait3A_27 : memref<1x16384xi32, #tpu.memory_space<hbm>> -> memref<16384xi32, #tpu.memory_space<hbm>>
    %dma_wait3A_29 = arith.constant 0 : i32
    %dma_wait3A_30 = tpu.memref_slice %arg2[%dma_wait3A_25, %dma_wait3A_29] : memref<2x16384xi32, #tpu.memory_space<hbm>> -> memref<1x16384xi32, #tpu.memory_space<hbm>>
    %dma_wait3A_31 = tpu.memref_squeeze %dma_wait3A_30 : memref<1x16384xi32, #tpu.memory_space<hbm>> -> memref<16384xi32, #tpu.memory_space<hbm>>
    tpu.wait_dma2 semaphore(%arg8 : memref<!tpu.dma_semaphore, #tpu.memory_space<semaphore_mem>>) src(%dma_wait3A_31 : memref<16384xi32, #tpu.memory_space<hbm>>) dst(%arg5 : memref<16384xi32, #tpu.memory_space<vmem>>)
    %broadcast_in_dim3A_32 = arith.constant 1.000000e+00 : f32
    %broadcast_in_dim3A_33 = vector.broadcast %broadcast_in_dim3A_32 : f32 to vector<16xf32>
    %parallel_loop3A_34 = arith.constant 0 : i32
    %parallel_loop3A_35 = arith.constant 1024 : i32
    %parallel_loop3A_36 = arith.constant 1 : i32
    scf.for %parallel_loop3A_37 = %parallel_loop3A_34 to %parallel_loop3A_35 step %parallel_loop3A_36  : i32 {
      %parallel_loop3A_38 = arith.constant 16 : i32
      %parallel_loop3A_39 = arith.muli %parallel_loop3A_37, %parallel_loop3A_38 : i32
      %parallel_loop3A_40 = arith.index_cast %parallel_loop3A_39 : i32 to index
      %parallel_loop3A_41 = tpu.vector_load %arg4[%parallel_loop3A_40] {strides = array<i32>} : memref<16384xi32, #tpu.memory_space<vmem>>, vector<16xi32>,
      %parallel_loop3A_42 = arith.constant 16 : i32
      %parallel_loop3A_43 = arith.muli %parallel_loop3A_37, %parallel_loop3A_42 : i32
      %parallel_loop3A_44 = arith.index_cast %parallel_loop3A_43 : i32 to index
      %parallel_loop3A_45 = tpu.vector_load %arg5[%parallel_loop3A_44] {strides = array<i32>} : memref<16384xi32, #tpu.memory_space<vmem>>, vector<16xi32>,
      %parallel_loop3A_46 = vector.broadcast %mul3A_2 : i32 to vector<16xi32>
      %parallel_loop3A_47 = arith.subi %parallel_loop3A_45, %parallel_loop3A_46 : vector<16xi32>
      %parallel_loop3A_48 = arith.constant 32 : i32
      %parallel_loop3A_49 = vector.broadcast %parallel_loop3A_48 : i32 to vector<16xi32>
      %parallel_loop3A_50 = arith.cmpi ult, %parallel_loop3A_47, %parallel_loop3A_49 : vector<16xi32>
      tpu.vector_store_idx %arg6[%parallel_loop3A_47, %parallel_loop3A_41], %broadcast_in_dim3A_33 masked %parallel_loop3A_50 : memref<32x1024xf32, #tpu.memory_space<vmem>>[vector<16xi32>, vector<16xi32>], vector<16xf32>, vector<16xi1>
    } {sc.loop_unroll_factor = 16 : i64, sc.parallel_access}
    "tpu.region"() ({
      %run_scoped3A = tpu.sem_alloc : memref<!tpu.dma_semaphore, #tpu.memory_space<semaphore_mem>>
      %dma_start3A_37 = arith.constant 0 : i32
      %dma_start3A_38 = tpu.memref_slice %arg3[%mul3A_2, %dma_start3A_37] : memref<1024x1024xf32, #tpu.memory_space<hbm>> -> memref<32x1024xf32, #tpu.memory_space<hbm>>
      %dma_start3A_39 = arith.constant 0 : i32
      %dma_start3A_40 = tpu.memref_slice %arg3[%mul3A_2, %dma_start3A_39] : memref<1024x1024xf32, #tpu.memory_space<hbm>> -> memref<32x1024xf32, #tpu.memory_space<hbm>>
      tpu.enqueue_dma source(%arg6 : memref<32x1024xf32, #tpu.memory_space<vmem>>) target(%dma_start3A_40 : memref<32x1024xf32, #tpu.memory_space<hbm>>) target_semaphore(%run_scoped3A : memref<!tpu.dma_semaphore, #tpu.memory_space<semaphore_mem>>)
      %dma_wait3A_41 = arith.constant 0 : i32
      %dma_wait3A_42 = tpu.memref_slice %arg3[%mul3A_2, %dma_wait3A_41] : memref<1024x1024xf32, #tpu.memory_space<hbm>> -> memref<32x1024xf32, #tpu.memory_space<hbm>>
      %dma_wait3A_43 = arith.constant 0 : i32
      %dma_wait3A_44 = tpu.memref_slice %arg3[%mul3A_2, %dma_wait3A_43] : memref<1024x1024xf32, #tpu.memory_space<hbm>> -> memref<32x1024xf32, #tpu.memory_space<hbm>>
      tpu.wait_dma2 semaphore(%run_scoped3A : memref<!tpu.dma_semaphore, #tpu.memory_space<semaphore_mem>>) src(%arg6 : memref<32x1024xf32, #tpu.memory_space<vmem>>) dst(%dma_wait3A_44 : memref<32x1024xf32, #tpu.memory_space<hbm>>)
      tpu.yield
    }) : () -> ()
    return
  }
}

module attributes {stable_mosaic.version = 14 : i64} {
  func.func @_cycle_body(%arg0: memref<1024x1024xf32, #tpu.memory_space<vmem>>, %arg1: memref<1024x128xf32, #tpu.memory_space<vmem>>, %arg2: memref<1024xi32, #tpu.memory_space<vmem>>) attributes {dimension_semantics = [], scalar_prefetch = 0 : i64, scratch_operands = 0 : i64, tpu.core_type = #tpu.core_type<tc>} {
    %get3A = arith.constant 0 : index
    %get3A_0 = arith.constant 0 : index
    %get3A_1 = vector.load %arg0[%get3A, %get3A_0] : memref<1024x1024xf32, #tpu.memory_space<vmem>>, vector<1024x1024xf32>
    %iota3A = tpu.iota {dimensions = array<i32: 0>} : vector<1024x1024xi32>
    %iota3A_2 = tpu.iota {dimensions = array<i32: 1>} : vector<1024x1024xi32>
    %eq3A = arith.cmpi eq, %iota3A, %iota3A_2 : vector<1024x1024xi32>
    %convert_element_type3A = arith.extui %eq3A : vector<1024x1024xi1> to vector<1024x1024xi32>
    %convert_element_type3A_3 = arith.sitofp %convert_element_type3A : vector<1024x1024xi32> to vector<1024x1024xf32>
    %add3A = arith.addf %get3A_1, %convert_element_type3A_3 : vector<1024x1024xf32>
    %convert_element_type3A_4 = arith.truncf %get3A_1 : vector<1024x1024xf32> to vector<1024x1024xbf16>
    %convert_element_type3A_5 = arith.truncf %add3A : vector<1024x1024xf32> to vector<1024x1024xbf16>
    %dot_general3A = arith.constant dense<0.000000e+00> : vector<1024x1024xf32>
    %dot_general3A_6 = tpu.matmul %convert_element_type3A_4, %convert_element_type3A_5, %dot_general3A {dimension_numbers = #tpu.dot_dimension_numbers<[1], [0], [0], [1], [0, 0, 1, 1], [], []>, transpose_lhs_hint = false} : vector<1024x1024xbf16>, vector<1024x1024xbf16>, vector<1024x1024xf32> -> vector<1024x1024xf32>
    %add3A_7 = arith.addf %dot_general3A_6, %add3A : vector<1024x1024xf32>
    %gt3A = arith.constant 0.000000e+00 : f32
    %gt3A_8 = vector.broadcast %gt3A : f32 to vector<1024x1024xf32>
    %gt3A_9 = arith.cmpf ogt, %add3A_7, %gt3A_8 : vector<1024x1024xf32>
    %convert_element_type3A_10 = arith.extui %gt3A_9 : vector<1024x1024xi1> to vector<1024x1024xi32>
    %convert_element_type3A_11 = arith.sitofp %convert_element_type3A_10 : vector<1024x1024xi32> to vector<1024x1024xf32>
    %convert_element_type3A_12 = arith.truncf %convert_element_type3A_11 : vector<1024x1024xf32> to vector<1024x1024xbf16>
    %dot_general3A_13 = arith.constant dense<0.000000e+00> : vector<1024x1024xf32>
    %dot_general3A_14 = tpu.matmul %convert_element_type3A_4, %convert_element_type3A_12, %dot_general3A_13 {dimension_numbers = #tpu.dot_dimension_numbers<[1], [0], [0], [1], [0, 0, 1, 1], [], []>, transpose_lhs_hint = false} : vector<1024x1024xbf16>, vector<1024x1024xbf16>, vector<1024x1024xf32> -> vector<1024x1024xf32>
    %get3A_15 = arith.constant 0 : index
    %get3A_16 = arith.constant 127 : index
    %get3A_17 = vector.load %arg1[%get3A_15, %get3A_16] : memref<1024x128xf32, #tpu.memory_space<vmem>>, vector<1024x1xf32>
    %gt3A_18 = arith.constant 5.000000e-01 : f32
    %gt3A_19 = vector.broadcast %gt3A_18 : f32 to vector<1024x1xf32>
    %gt3A_20 = arith.cmpf ogt, %get3A_17, %gt3A_19 : vector<1024x1xf32>
    %convert_element_type3A_21 = arith.extui %gt3A_20 : vector<1024x1xi1> to vector<1024x1xi32>
    %convert_element_type3A_22 = arith.sitofp %convert_element_type3A_21 : vector<1024x1xi32> to vector<1024x1xf32>
    %transpose3A = tpu.transpose %convert_element_type3A_22, [1, 0] : vector<1024x1xf32> -> vector<1x1024xf32>
    %gt3A_23 = arith.constant 0.000000e+00 : f32
    %gt3A_24 = vector.broadcast %gt3A_23 : f32 to vector<1024x1024xf32>
    %gt3A_25 = arith.cmpf ogt, %dot_general3A_14, %gt3A_24 : vector<1024x1024xf32>
    %gt3A_26 = arith.constant 0.000000e+00 : f32
    %gt3A_27 = vector.broadcast %gt3A_26 : f32 to vector<1x1024xf32>
    %gt3A_28 = arith.cmpf ogt, %transpose3A, %gt3A_27 : vector<1x1024xf32>
    %and3A = vector.broadcast %gt3A_28 : vector<1x1024xi1> to vector<1024x1024xi1>
    %and3A_29 = arith.andi %gt3A_25, %and3A : vector<1024x1024xi1>
    %eq3A_30 = arith.constant 0.000000e+00 : f32
    %eq3A_31 = vector.broadcast %eq3A_30 : f32 to vector<1024x1024xf32>
    %eq3A_32 = arith.cmpf oeq, %get3A_1, %eq3A_31 : vector<1024x1024xf32>
    %and3A_33 = arith.andi %and3A_29, %eq3A_32 : vector<1024x1024xi1>
    %ne3A = arith.cmpi ne, %iota3A, %iota3A_2 : vector<1024x1024xi32>
    %and3A_34 = arith.andi %and3A_33, %ne3A : vector<1024x1024xi1>
    %convert_element_type3A_35 = arith.extui %and3A_34 : vector<1024x1024xi1> to vector<1024x1024xi32>
    %convert_element_type3A_36 = arith.sitofp %convert_element_type3A_35 : vector<1024x1024xi32> to vector<1024x1024xf32>
    %convert_element_type3A_37 = arith.truncf %convert_element_type3A_36 : vector<1024x1024xf32> to vector<1024x1024xbf16>
    %broadcast_in_dim3A = arith.constant 1.000000e+00 : bf16
    %broadcast_in_dim3A_38 = vector.broadcast %broadcast_in_dim3A : bf16 to vector<1024x1xbf16>
    %dot_general3A_39 = arith.constant dense<0.000000e+00> : vector<1024x1xf32>
    %dot_general3A_40 = tpu.matmul %convert_element_type3A_37, %broadcast_in_dim3A_38, %dot_general3A_39 {dimension_numbers = #tpu.dot_dimension_numbers<[1], [0], [0], [1], [0, 0, 1, 1], [], []>, transpose_lhs_hint = false} : vector<1024x1024xbf16>, vector<1024x1xbf16>, vector<1024x1xf32> -> vector<1024x1xf32>
    %transpose3A_41 = tpu.transpose %dot_general3A_40, [1, 0] : vector<1024x1xf32> -> vector<1x1024xf32>
    %reshape3A = vector.shape_cast %transpose3A_41 : vector<1x1024xf32> to vector<1024xf32>
    %convert_element_type3A_42 = arith.fptosi %reshape3A : vector<1024xf32> to vector<1024xi32>
    %swap3A = arith.constant 0 : index
    %swap3A_43 = vector.load %arg2[%swap3A] : memref<1024xi32, #tpu.memory_space<vmem>>, vector<1024xi32>
    tpu.vector_store %arg2[%swap3A], %convert_element_type3A_42 {strides = array<i32>} : memref<1024xi32, #tpu.memory_space<vmem>>, vector<1024xi32>,
    return
  }
}

</mosaic_0001>

<sc_bundles>
// kernel: kernel.4.cloned.1.call-start
scs
__scs_entry_jumppad:
0x0: {  	(pc) =	sbr.rel $0x88, $3  }
0x1: {  	(tag) =	ssettag $0x0;
	lr =	simm.s32 $0x1  }
0x2: {  	[smem:$0x3F9F] =	sst lr;
	_ =	strace $0xD0000000  }
0x3: {  	_ = 	snop  }
0x4: {  	_ = 	snop  }
0x5: {  	_ = 	snop  }
0x6: {  	_ = 	snop  }
0x7: {  	_ = 	snop  }
__scs_overlays_trampoline_lowered:
0x8: {  	[smem:$0x3FAE] =	sst s0  }
0x9: {  	[smem:$0x3FAF] =	sst s1  }
0xa: {  	[smem:$0x3FB0] =	sst s2  }
0xb: {  	[smem:$0x3FB1] =	sst s3  }
0xc: {  	[smem:$0x3FB2] =	sst s4  }
0xd: {  	[smem:$0x3FB3] =	sst s5  }
0xe: {  	[smem:$0x3FB4] =	sst s6  }
0xf: {  	[smem:$0x3FB5] =	sst s7  }
0x10: {  	[smem:$0x3FB6] =	sst s8  }
0x11: {  	[smem:$0x3FB7] =	sst s9;
	s0 =	simm.s32 @!p0 $0x0  }
0x12: {  	s1 =	sld [smem:$0x3F9D];
	s0 =	simm.s32 @p0 $0x1  }
0x13: {  	[smem:$0x3FB8] =	sst s0;
	s0 =	simm.s32 @!p1 $0x0  }
0x14: {  	s2 =	sld [smem:$0x3F9C];
	s0 =	simm.s32 @p1 $0x1  }
0x15: {  	[smem:$0x3FB9] =	sst s0;
	s0 =	simm.s32 @!p2 $0x0  }
0x16: {  	s3 =	sld [smem:$0x3FDB];
	s0 =	simm.s32 @p2 $0x1  }
0x17: {  	s4 =	simm.s32 $0x1BF5;
	[smem:$0x3FBB] =	sst s0  }
0x18: {  	s0 =	sld [smem:$0x3F9E];
	_ =	swait.ge [sflag:s4], $0x0  }
0x19: {  	s7 =	sld [smem:$0x3F9F]  }
0x1a: {  	s8 =	sadd.s32 $0xFFFFE003, lr  }
0x1b: {  	s9 =	sadd.s32 $0xFFFFFEF7, lr;
	s5 =	simm.s32 $0xFFFFFFFF;
	p2 =	slt.u32 s8, $0xFFFFF086  }
0x1c: {  	p1 =	slt.u32 s9, $0xF7A;
	s5 =	simm.s32 @!p2 $0x0  }
0x1d: {  	s5 =	simm.s32 @p1 $0x1;
	p0 =	seq.s32 s7, s2  }
0x1e: {  	s7 =	smul.u32 @!p0 $0xF7A, s2;
	p2 =	seq.s32 @!p0 s5, $0x0  }
0x1f: {  	s9 =	smul.u32 $0xF7A, s1;
	s8 =	simm.s32 @!p0 $0x1BF5;
	p2 =	por !p2, p0  }
0x20: {  	[sflag:s8] =	ssyncset.s32 @!p0 $0xFFFFF086;
	s6 =	sadd.s32 @!p0 s3, s7;
	s7 =	simm.s32 @!p0 $0x108  }
0x21: {  	s3 =	sadd.s32 s3, s9;
	s6 =	sadd.s32 @!p0 $0x88, s6;
	s7 =	simm.s32 @p2 $0x1082  }
0x22: {  	[simem:s7], [sflag:s8] =	dma.local @!p0 [hbm:s6], $0xF7A  }
0x23: {  	s9 =	sor.u32 $0xD0000000, s2;
	s6 =	simm.s32 $0x108;
	_ =	swait.ge @!p0 [sflag:s8], $0x0  }
0x24: {  	s3 =	sadd.s32 $0x88, s3;
	s6 =	simm.s32 @!p1 $0x1082;
	[sflag:s4] =	ssyncset.s32 $0xFFFFF086  }
0x25: {  	[simem:s6], [sflag:s4] =	dma.local [hbm:s3], $0xF7A  }
0x26: {  	[smem:$0x3F9F] =	sst s1;
	(tag) =	ssettag s2;
	_ =	strace s9  }
0x27: {  	s1 =	sld [smem:$0x3FAF]  }
0x28: {  	s2 =	sld [smem:$0x3FB0]  }
0x29: {  	s4 =	sld [smem:$0x3FB2]  }
0x2a: {  	p0 =	seq.s32 s5, $0x0;
	s5 =	sld [smem:$0x3FB3]  }
0x2b: {  	s6 =	sld [smem:$0x3FB4]  }
0x2c: {  	s7 =	sld [smem:$0x3FB5]  }
0x2d: {  	s3 =	simm.s32 $0x108;
	s8 =	sld [smem:$0x3FB6]  }
0x2e: {  	s3 =	simm.s32 @!p0 $0x1082;
	s9 =	sld [smem:$0x3FB7]  }
0x2f: {  	lr =	sadd.s32 s0, s3;
	s0 =	sld [smem:$0x3FAE]  }
0x30: {  	s3 =	sld [smem:$0x3FB1]  }
0x31: {  	[smem:$0x3FBA] =	sst s10  }
0x32: {  	s10 =	sld [smem:$0x3FB8];
	_ =	sdelay $0x3  }
0x33: {  	p0 =	seq.s32 s10, $0x1;
	s10 =	sld [smem:$0x3FBA];
	_ =	sdelay $0x3  }
0x34: {  	[smem:$0x3FBA] =	sst s10  }
0x35: {  	s10 =	sld [smem:$0x3FB9];
	_ =	sdelay $0x3  }
0x36: {  	p1 =	seq.s32 s10, $0x1;
	s10 =	sld [smem:$0x3FBA];
	_ =	sdelay $0x3  }
0x37: {  	[smem:$0x3FBA] =	sst s10  }
0x38: {  	s10 =	sld [smem:$0x3FBB]  }
0x39: {  	_ = 	snop;
	(pc) =	sbr.ind lr, $3  }
0x3a: {  	_ = 	snop  }
0x3b: {  	_ = 	snop  }
0x3c: {  	p2 =	seq.s32 s10, $0x1;
	s10 =	sld [smem:$0x3FBA]  }
0x3d: {  	_ =	shalt  }
0x3e: {  	_ =	shalt  }
0x3f: {  	_ =	shalt  }
0x40: {  	_ =	shalt  }
0x41: {  	_ =	shalt  }
0x42: {  	_ =	shalt  }
0x43: {  	_ =	shalt  }
0x44: {  	_ =	shalt  }
0x45: {  	_ =	shalt  }
0x46: {  	_ =	shalt  }
0x47: {  	_ =	shalt  }
0x48: {  	_ =	shalt  }
0x49: {  	_ =	shalt  }
0x4a: {  	_ =	shalt  }
0x4b: {  	_ =	shalt  }
0x4c: {  	_ =	shalt  }
0x4d: {  	_ =	shalt  }
0x4e: {  	_ =	shalt  }
0x4f: {  	_ =	shalt  }
0x50: {  	_ =	shalt  }
0x51: {  	_ =	shalt  }
0x52: {  	_ =	shalt  }
0x53: {  	_ =	shalt  }
0x54: {  	_ =	shalt  }
0x55: {  	_ =	shalt  }
0x56: {  	_ =	shalt  }
0x57: {  	_ =	shalt  }
0x58: {  	_ =	shalt  }
0x59: {  	_ =	shalt  }
0x5a: {  	_ =	shalt  }
0x5b: {  	_ =	shalt  }
0x5c: {  	_ =	shalt  }
0x5d: {  	_ =	shalt  }
0x5e: {  	_ =	shalt  }
0x5f: {  	_ =	shalt  }
0x60: {  	_ =	shalt  }
0x61: {  	_ =	shalt  }
0x62: {  	_ =	shalt  }
0x63: {  	_ =	shalt  }
0x64: {  	_ =	shalt  }
0x65: {  	_ =	shalt  }
0x66: {  	_ =	shalt  }
0x67: {  	_ =	shalt  }
0x68: {  	_ =	shalt  }
0x69: {  	_ =	shalt  }
0x6a: {  	_ =	shalt  }
0x6b: {  	_ =	shalt  }
0x6c: {  	_ =	shalt  }
0x6d: {  	_ =	shalt  }
0x6e: {  	_ =	shalt  }
0x6f: {  	_ =	shalt  }
0x70: {  	_ =	shalt  }
0x71: {  	_ =	shalt  }
0x72: {  	_ =	shalt  }
0x73: {  	_ =	shalt  }
0x74: {  	_ =	shalt  }
0x75: {  	_ =	shalt  }
0x76: {  	_ =	shalt  }
0x77: {  	_ =	shalt  }
0x78: {  	_ =	shalt  }
0x79: {  	_ =	shalt  }
0x7a: {  	_ =	shalt  }
0x7b: {  	_ =	shalt  }
0x7c: {  	_ =	shalt  }
0x7d: {  	_ =	shalt  }
0x7e: {  	_ =	shalt  }
0x7f: {  	_ =	shalt  }
0x80: {  	_ =	shalt  }
0x81: {  	_ =	shalt  }
0x82: {  	_ =	shalt  }
0x83: {  	_ =	shalt  }
0x84: {  	_ =	shalt  }
0x85: {  	_ =	shalt  }
0x86: {  	_ =	shalt  }
0x87: {  	_ =	shalt  }
.Lfunc_end0:
.L_simem_size_0:
called_computation_lowered:
.L_overlay_start_0:
0x88: {  	s2 =	sld [smem:$0x3FD9]  }
0x89: {  	s3 =	sld [smem:$0x3FFE];
	_ =	sdelay $0x1  }
0x8a: {  	s1 =	srdreg.scid  }
0x8b: {  	s0 =	sand.u32 $0x1, s1  }
0x8c: {  	s17 =	sshll.u32 s0, $0xA;
	s2 =	sadd.s32 s3, s2  }
0x8d: {  	s2 =	sadd.s32 s2, s17  }
0x8e: {  	[smem:$0x3FC6] =	sst s2  }
0x8f: {  	_ = 	snop  }
0x90: {  	s2 =	sld [smem:$0x3FC8];
	(tm) =	ssettm $0x1  }
0x91: {  	s18 =	sld [smem:$0x3FFB];
	_ =	sdelay $0x3  }
0x92: {  	_ =	strace s18  }
0x93: {  	s3 =	sld [smem:$0x3FFC];
	_ =	sdelay $0x3  }
0x94: {  	_ =	strace s3  }
0x95: {  	s3 =	sld [smem:$0x3FFD];
	_ =	sdelay $0x3  }
0x96: {  	_ =	strace s3  }
0x97: {  	_ =	strace $0x8FFFFFFF  }
0x98: {  	s19 =	sld [smem:$0x3FDB];
	_ =	sdelay $0x1  }
0x99: {  	s4 =	simm.s32 $_scs_section_size  }
0x9a: {  	s5 =	simm.s32 $_size__tile_overlayer_lowered;
	s6 =	simm.s32 $_tile_overlayer_lowered  }
0x9b: {  	s22 =	simm.s32 $0x1BFF;
	s21 =	sshll.u32 s6, $0x1;
	s3 =	sadd.s32 s4, s19  }
0x9c: {  	s7 =	simm.s32 $0x0;
	s20 =	sshll.u32 s5, $0x1;
	s5 =	sadd.s32 s21, s3  }
0x9d: {  	[timem:s7], [sflag:s22] =	dma.local [hbm:s5], s20  }
0x9e: {  	_ =	swait.ge [sflag:s22], s20  }
0x9f: {  	s4 =	ssub.s32 $0x0, s20;
	[sflag:s22] =	ssyncset.done $0x0  }
0xa0: {  	[sflag:s22] =	ssyncadd.s32 s4;
	_ =	sdelay $0x1  }
0xa1: {  	s23 =	simm.s32 $0x1B8B  }
0xa2: {  	_ =	swait.ge [sflag:s23], $0x1  }
0xa3: {  	[sflag:s23] =	ssyncset.done $0x0  }
0xa4: {  	s25 =	simm.s32 $0x1B8E;
	s24 =	sld [smem:$0x3FFE];
	[sflag:s23] =	ssyncadd.s32 $0xFFFFFFFF  }
0xa5: {  	s26 =	simm.s32 $execute0_lowered;
	[smem:$0x3FD2] =	sst s25  }
0xa6: {  	s5 =	sshll.u32 s26, $0x1;
	_ =	strace $0x80000046;
	[dreg:$0x1] =	wrdreg $0xFFFFFFFF  }
0xa7: {  	s28 =	simm.s32 $_size_execute0_lowered;
	s3 =	sadd.s32 s3, s5;
	[dreg:$0x0] =	wrdreg $0x0  }
0xa8: {  	s5 =	sshll.u32 s28, $0x1;
	[dreg:$0x2] =	wrdreg s3  }
0xa9: {  	[dreg:$0x3] =	wrdreg s5  }
0xaa: {  	[dreg:$0x4] =	wrdreg $0xC0  }
0xab: {  	_ =	task [dreg:s7], $0x5FFFF  }
0xac: {  	[dreg:$0x1] =	wrdreg $0xFFFFFFFF  }
0xad: {  	[dreg:$0x0] =	wrdreg $0x60  }
0xae: {  	[dreg:$0x2] =	wrdreg s2  }
0xaf: {  	[dreg:$0x3] =	wrdreg s24  }
0xb0: {  	[dreg:$0x4] =	wrdreg $0x9  }
0xb1: {  	_ =	task.clear_ibuf [dreg:s7], $0x5FFFF;
	_ =	strace $0x90000046  }
0xb2: {  	s29 =	simm.s32 $0x9;
	_ =	strace $0x80000048  }
0xb3: {  	_ =	swait.ge [sflag:s29], $0x1  }
0xb4: {  	[sflag:s29] =	ssyncadd.s32 $0xFFFFFFFF  }
0xb5: {  	_ =	strace $0x90000048  }
0xb6: {  	_ =	sfence  }
0xb7: {  	s30 =	sld [smem:$0x0];
	_ =	sdelay $0x2  }
0xb8: {  	s31 =	sshll.u32 s1, $0xD;
	s1 =	sshrl.u32 s1, $0x2  }
0xb9: {  	s3 =	sand.u32 $0x4000, s31;
	s1 =	sadd.s32 s1, s30  }
0xba: {  	s0 =	sor.u32 s3, s0;
	s1 =	sshll.u32 s1, $0x11  }
0xbb: {  	s0 =	sor.u32 s1, s0  }
0xbc: {  	s0 =	sadd.s32 $0x8F2B, s0  }
0xbd: {  	[sflag:s0] =	ssyncadd.remote.s32 $0x1  }
0xbe: {  	_ =	sfence.sel $0xFFFF  }
0xbf: {  	[dreg:$0x0] =	wrdreg $0xFFFFFFFF;
	(pc) =	sbr.abs _section_cstart, $3  }
0xc0: {  	[dreg:$0x1] =	wrdreg $0xFFFFFFFF  }
0xc1: {  	_ =	task.clear_ibuf [dreg:s7], $0x2FFFF;
	_ =	strace $0x9FFFFFFF  }
0xc2: {  	(tm) =	ssettm $0x7FFFFFFF  }
0xc3: {  	_ =	shalt  }
tec
execute0_lowered:
.L_overlay_start_1:
0x0: {  	(tag) =	ssettag $0x1  }
0x1: {  	s1 =	srdreg.scid;
	s2 =	rddreg [dreg:$0x0]  }
0x2: {  	s0 =	stileid.u32;
	s5 =	rddreg [dreg:$0x1]  }
0x3: {  	s3 =	simm.s32 $0x0;
	s8 =	simm.s32 $0x100;
	s9 =	simm.s32 $0x4000  }
0x4: {  	s10 =	simm.s32 $0x1;
	s11 =	simm.s32 $0x2;
	s13 =	simm.s32 $0x3  }
0x5: {  	s14 =	simm.s32 $0x0;
	s4 =	sand.u32 $0x1, s1;
	s1 =	rddreg [dreg:$0x2]  }
0x6: {  	s6 =	sshll.u32 s0, $0x6;
	[smem:$0x7FF] =	sst s3;
	s7 =	sshll.u32 s4, $0x5  }
0x7: {  	s4 =	ssub.s32 $0x2, s4;
	_ =	strace $0x80000047;
	s12 =	sor.u32 s7, s6  }
0x8: {  	s31 =	sshrl.u32 s4, $0x1;
	s7 =	simm.s32 $0x80;
	s6 =	sshll.u32 s12, $0x7  }
0x9: {  	v0 =	vmov s12;
	s12 =	simm.s32 $0x8000;
	s5 =	sadd.s32 s6, s5;
	s6 =	ssub.s32 s4, s31  }
0xa: {  	v1 =	vimm.f32 $0.0e+00;
	v9 =	vimm.f32 $1.000000000e+00;
	s4 =	sadd.s32 $0x10, s2;
	s5 =	sadd.s32 $0x800, s5;
	s6 =	smax.u32 s6, $0x1  }
.LBB2_1:
0xb: {  	[tilespmem:s3], [sflag:$0x1] =	stream.strided.gather [hbm4b:s2+s7], $0x4000, s8, s7, $0x38;
	[tilespmem:$0x10000] =	vst v63  }
0xc: {  	s15 =	simm.s32 $0x0  }
0xd: {  	s16 =	sand.u32 $0x1800, s3;
	s17 =	simm.s32 $0x0;
	s15 =	sand.u32 $0x6000, s15  }
0xe: {  	[tilespmem:s9], [sflag:$0x2] =	stream.strided.gather [hbm4b:s4+s7], $0x4000, s8, s7, $0x38;
	[tilespmem:$0x10000] =	vst v63  }
0xf: {  	s17 =	sand.u32 $0x380, s17;
	s15 =	sor.u32 s16, s15  }
0x10: {  	s15 =	sor.u32 s17, s15  }
0x11: {  	[tilespmem:s15+$0x8470] =	vst v1  }
0x12: {  	[tilespmem:s15+$0x8000] =	vst v1  }
0x13: {  	[tilespmem:s15+$0x8010] =	vst v1  }
0x14: {  	[tilespmem:s15+$0x8020] =	vst v1  }
0x15: {  	[tilespmem:s15+$0x8030] =	vst v1  }
0x16: {  	[tilespmem:s15+$0x8040] =	vst v1  }
0x17: {  	[tilespmem:s15+$0x8050] =	vst v1  }
0x18: {  	[tilespmem:s15+$0x8060] =	vst v1  }
0x19: {  	[tilespmem:s15+$0x8070] =	vst v1  }
0x1a: {  	[tilespmem:s15+$0x8400] =	vst v1  }
0x1b: {  	s16 =	simm.s32 $0x0;
	s17 =	simm.s32 $0x0;
	[tilespmem:s15+$0x8410] =	vst v1  }
.LBB2_2:
0x1c: {  	s16 =	sadd.s32 $0x10, s16;
	[tilespmem:s15+$0x8420] =	vst v1  }
0x1d: {  	s17 =	sadd.s32 $0x800, s17;
	s18 =	sshll.u32 s16, $0x4;
	p0 =	slt.u32 s16, $0x7F0;
	[tilespmem:s15+$0x8430] =	vst v1  }
0x1e: {  	s19 =	sand.u32 $0x1800, s17;
	s20 =	sshll.u32 s16, $0x1;
	s18 =	sand.u32 $0x6000, s18;
	[tilespmem:s15+$0x8440] =	vst v1  }
0x1f: {  	s20 =	sand.u32 $0x380, s20;
	s18 =	sor.u32 s19, s18;
	[tilespmem:s15+$0x8450] =	vst v1  }
0x20: {  	[tilespmem:s15+$0x8460] =	vst v1;
	s15 =	sor.u32 s20, s18  }
0x21: {  	[tilespmem:s15+$0x8470] =	vst v1  }
0x22: {  	[tilespmem:s15+$0x8000] =	vst v1  }
0x23: {  	[tilespmem:s15+$0x8010] =	vst v1  }
0x24: {  	[tilespmem:s15+$0x8020] =	vst v1  }
0x25: {  	[tilespmem:s15+$0x8030] =	vst v1  }
0x26: {  	[tilespmem:s15+$0x8040] =	vst v1  }
.Ltmp0:
0x27: {  	[tilespmem:s15+$0x8050] =	vst v1;
	(pc) =	sbr.rel @p0 .LBB2_2-.Ltmp0, $4  }
0x28: {  	[tilespmem:s15+$0x8060] =	vst v1  }
0x29: {  	[tilespmem:s15+$0x8070] =	vst v1  }
0x2a: {  	[tilespmem:s15+$0x8400] =	vst v1  }
0x2b: {  	[tilespmem:s15+$0x8410] =	vst v1  }
0x2c: {  	[tilespmem:s15+$0x8420] =	vst v1  }
0x2d: {  	[tilespmem:s15+$0x8430] =	vst v1  }
0x2e: {  	[tilespmem:s15+$0x8440] =	vst v1  }
0x2f: {  	[tilespmem:s15+$0x8450] =	vst v1  }
0x30: {  	[tilespmem:s15+$0x8460] =	vst v1  }
0x31: {  	_ =	swait.ge [sflag:s10], $0x4000  }
0x32: {  	[sflag:s10] =	ssyncset.done $0x0  }
0x33: {  	[sflag:s10] =	ssyncadd.s32 $0xFFFFC000  }
0x34: {  	_ =	swait.ge [sflag:s11], $0x4000  }
0x35: {  	[sflag:s11] =	ssyncset.done $0x0  }
0x36: {  	s16 =	simm.s32 $0x4080;
	[sflag:s11] =	ssyncadd.s32 $0xFFFFC000  }
0x37: {  	v10 =	vld [tilespmem:s16+$0xFFFFFFB0]  }
0x38: {  	s15 =	simm.s32 $0x80;
	v3 =	vld [tilespmem:s16+$0x70]  }
0x39: {  	v4 =	vld [tilespmem:s15+$0x70]  }
0x3a: {  	v25 =	vld [tilespmem:s16+$0xFFFFFF80]  }
0x3b: {  	v26 =	vld [tilespmem:s16+$0xFFFFFF90]  }
0x3c: {  	v27 =	vld [tilespmem:s16+$0xFFFFFFA0];
	[tilespmem:$0x1FFD0] =	vst v10  }
0x3d: {  	v16 =	vld [tilespmem:s16+$0xFFFFFFE0]  }
0x3e: {  	v5 =	vsub.s32 v3, v0  }
0x3f: {  	v7 =	vshll.u32 v4, $0x3;
	v6 =	vshll.u32 v5, $0xA  }
0x40: {  	v8 =	vshll.u32 v3, $0x7;
	v7 =	vand.u32 $0xFFFFFC00, v7;
	v6 =	vand.u32 $0xFFFFE000, v6  }
0x41: {  	v19 =	vld [tilespmem:s16+$0xFFFFFFC0];
	v6 =	vadd.s32 v7, v6;
	v7 =	vand.u32 $0x380, v8  }
0x42: {  	v22 =	vld [tilespmem:s16+$0xFFFFFFD0];
	v8 =	vand.u32 $0x7F, v4;
	v6 =	vor.u32 v7, v6;
	[tilespmem:$0x1FFE0] =	vst v16  }
0x43: {  	v2 =	vor.u32 v8, v6;
	v23 =	vld [tilespmem:s16+$0xFFFFFFF0]  }
0x44: {  	v28 =	vld [tilespmem:s16+$0x0];
	[tilespmem:$0x1FFF0] =	vst v2  }
0x45: {  	v1 =	vsub.s32 v25, v0;
	v24 =	vld [tilespmem:s16+$0x10]  }
0x46: {  	v3 =	vsub.s32 v26, v0;
	v25 =	vshll.u32 v25, $0x7;
	v26 =	vshll.u32 v26, $0x7;
	v29 =	vld [tilespmem:s16+$0x20]  }
0x47: {  	vm0 =	vlt.u32 v5, $0x20;
	v11 =	vshll.u32 v1, $0xA;
	v12 =	vshll.u32 v3, $0xA;
	v32 =	vld [tilespmem:s16+$0x30]  }
0x48: {  	v25 =	vand.u32 $0x380, v25;
	v26 =	vand.u32 $0x380, v26;
	v4 =	vsub.s32 v27, v0;
	v30 =	vld [tilespmem:s16+$0x40]  }
0x49: {  	v34 =	vand.u32 $0xFFFFE000, v11;
	v27 =	vshll.u32 v27, $0x7;
	v13 =	vshll.u32 v4, $0xA;
	v33 =	vld [tilespmem:s16+$0x50]  }
0x4a: {  	v37 =	vand.u32 $0xFFFFE000, v12;
	v27 =	vand.u32 $0x380, v27;
	v39 =	vand.u32 $0xFFFFE000, v13;
	v36 =	vld [tilespmem:s16+$0x60]  }
0x4b: {  	v5 =	vsub.s32 v19, v0;
	v6 =	vsub.s32 v22, v0;
	v7 =	vsub.s32 v16, v0;
	v31 =	vld [tilespmem:s15+$0xFFFFFF90]  }
0x4c: {  	v19 =	vshll.u32 v19, $0x7;
	v22 =	vshll.u32 v22, $0x7;
	v2 =	vsub.s32 v10, v0;
	v41 =	vld [tilespmem:s15+$0xFFFFFFA0]  }
0x4d: {  	v15 =	vshll.u32 v5, $0xA;
	v16 =	vshll.u32 v6, $0xA;
	v17 =	vshll.u32 v7, $0xA;
	v44 =	vld [tilespmem:s15+$0xFFFFFFB0]  }
0x4e: {  	v19 =	vand.u32 $0x380, v19;
	v22 =	vand.u32 $0x380, v22;
	v14 =	vshll.u32 v2, $0xA;
	v47 =	vld [tilespmem:s15+$0xFFFFFFC0]  }
0x4f: {  	v45 =	vand.u32 $0xFFFFE000, v15;
	v48 =	vand.u32 $0xFFFFE000, v16;
	v50 =	vld [tilespmem:s15+$0xFFFFFFD0];
	v51 =	vand.u32 $0xFFFFE000, v17  }
0x50: {  	v53 =	vld [tilespmem:s15+$0xFFFFFF80];
	v42 =	vand.u32 $0xFFFFE000, v14;
	v8 =	vsub.s32 v23, v0;
	v10 =	vsub.s32 v28, v0  }
0x51: {  	v56 =	vld [tilespmem:s15+$0xFFFFFFE0];
	v23 =	vshll.u32 v23, $0x7;
	v28 =	vshll.u32 v28, $0x7;
	v35 =	vshll.u32 v8, $0xA  }
0x52: {  	v38 =	vshll.u32 v10, $0xA;
	v11 =	vsub.s32 v24, v0;
	v12 =	vsub.s32 v29, v0  }
0x53: {  	v13 =	vsub.s32 v32, v0;
	v14 =	vsub.s32 v30, v0;
	v15 =	vsub.s32 v33, v0  }
0x54: {  	v16 =	vsub.s32 v36, v0;
	v54 =	vshll.u32 v31, $0x3;
	v57 =	vshll.u32 v41, $0x3  }
0x55: {  	v58 =	vshll.u32 v44, $0x3;
	v60 =	vshll.u32 v47, $0x3;
	v62 =	vshll.u32 v50, $0x3  }
0x56: {  	v63 =	vshll.u32 v53, $0x3;
	v18 =	vshll.u32 v56, $0x3;
	v23 =	vand.u32 $0x380, v23  }
0x57: {  	v28 =	vand.u32 $0x380, v28;
	v31 =	vand.u32 $0x7F, v31;
	v40 =	vshll.u32 v11, $0xA  }
0x58: {  	v43 =	vshll.u32 v12, $0xA;
	v46 =	vshll.u32 v13, $0xA;
	v49 =	vshll.u32 v14, $0xA  }
0x59: {  	v52 =	vshll.u32 v15, $0xA;
	v35 =	vand.u32 $0xFFFFE000, v35;
	v55 =	vshll.u32 v16, $0xA  }
0x5a: {  	v59 =	vld [tilespmem:s15+$0xFFFFFFF0];
	v38 =	vand.u32 $0xFFFFE000, v38;
	v54 =	vand.u32 $0xFFFFFC00, v54;
	v57 =	vand.u32 $0xFFFFFC00, v57  }
0x5b: {  	v61 =	vld [tilespmem:s15+$0x0];
	v63 =	vand.u32 $0xFFFFFC00, v63;
	v58 =	vand.u32 $0xFFFFFC00, v58;
	v60 =	vand.u32 $0xFFFFFC00, v60  }
0x5c: {  	v21 =	vld [tilespmem:s15+$0x10];
	v62 =	vand.u32 $0xFFFFFC00, v62;
	v18 =	vand.u32 $0xFFFFFC00, v18;
	v40 =	vand.u32 $0xFFFFE000, v40  }
0x5d: {  	v43 =	vand.u32 $0xFFFFE000, v43;
	v46 =	vand.u32 $0xFFFFE000, v46;
	v49 =	vand.u32 $0xFFFFE000, v49  }
0x5e: {  	v52 =	vand.u32 $0xFFFFE000, v52;
	v55 =	vand.u32 $0xFFFFE000, v55;
	v34 =	vadd.s32 v63, v34  }
0x5f: {  	v17 =	vld [tilespmem:$0x1FFD0];
	v37 =	vadd.s32 v54, v37;
	v54 =	vshll.u32 v59, $0x3;
	v39 =	vadd.s32 v57, v39  }
0x60: {  	v20 =	vld [tilespmem:s15+$0x20];
	v42 =	vadd.s32 v58, v42;
	v58 =	vshll.u32 v61, $0x3;
	v45 =	vadd.s32 v60, v45  }
0x61: {  	v48 =	vadd.s32 v62, v48;
	v18 =	vadd.s32 v18, v51;
	v51 =	vshll.u32 v21, $0x3  }
0x62: {  	v54 =	vand.u32 $0xFFFFFC00, v54;
	v58 =	vand.u32 $0xFFFFFC00, v58;
	v51 =	vand.u32 $0xFFFFFC00, v51  }
0x63: {  	v34 =	vor.u32 v25, v34;
	v26 =	vor.u32 v26, v37;
	v27 =	vor.u32 v27, v39  }
0x64: {  	v63 =	vld [tilespmem:s15+$0x30];
	v25 =	vshll.u32 v17, $0x7;
	v19 =	vor.u32 v19, v45;
	v22 =	vor.u32 v22, v48  }
0x65: {  	v57 =	vld [tilespmem:s15+$0x40];
	v35 =	vadd.s32 v54, v35;
	v54 =	vshll.u32 v20, $0x3;
	v38 =	vadd.s32 v58, v38  }
0x66: {  	v60 =	vld [tilespmem:s15+$0x50];
	v40 =	vadd.s32 v51, v40;
	v25 =	vand.u32 $0x380, v25;
	v31 =	vor.u32 v31, v26  }
0x67: {  	v26 =	vand.u32 $0x7F, v44;
	v54 =	vand.u32 $0xFFFFFC00, v54;
	v37 =	vor.u32 v25, v42  }
0x68: {  	v17 =	vld [tilespmem:$0x1FFE0];
	v35 =	vor.u32 v23, v35;
	v28 =	vor.u32 v28, v38;
	v23 =	vshll.u32 v24, $0x7  }
0x69: {  	v62 =	vld [tilespmem:s15+$0x60];
	v24 =	vshll.u32 v29, $0x7;
	v43 =	vadd.s32 v54, v43;
	v23 =	vand.u32 $0x380, v23  }
0x6a: {  	v24 =	vand.u32 $0x380, v24;
	v37 =	vor.u32 v26, v37;
	v26 =	vand.u32 $0x7F, v61  }
0x6b: {  	v58 =	vshll.u32 v63, $0x3;
	v51 =	vshll.u32 v57, $0x3;
	v54 =	vshll.u32 v60, $0x3  }
0x6c: {  	v48 =	vor.u32 v23, v40;
	v23 =	vshll.u32 v30, $0x7;
	v58 =	vand.u32 $0xFFFFFC00, v58  }
0x6d: {  	v51 =	vand.u32 $0xFFFFFC00, v51;
	v54 =	vand.u32 $0xFFFFFC00, v54;
	v25 =	vshll.u32 v17, $0x7  }
0x6e: {  	v46 =	vadd.s32 v58, v46;
	v58 =	vshll.u32 v62, $0x3;
	v49 =	vadd.s32 v51, v49  }
0x6f: {  	v51 =	vadd.s32 v54, v52;
	v25 =	vand.u32 $0x380, v25;
	v54 =	vor.u32 v24, v43  }
0x70: {  	v24 =	vshll.u32 v33, $0x7;
	v18 =	vor.u32 v25, v18;
	v25 =	vshll.u32 v32, $0x7  }
0x71: {  	v58 =	vand.u32 $0xFFFFFC00, v58;
	v24 =	vand.u32 $0x380, v24;
	v25 =	vand.u32 $0x380, v25  }
0x72: {  	v58 =	vadd.s32 v58, v55;
	v55 =	vor.u32 v25, v46;
	v25 =	vshll.u32 v36, $0x7  }
0x73: {  	v23 =	vand.u32 $0x380, v23;
	v17 =	vld [tilespmem:$0x1FFF0];
	v24 =	vor.u32 v24, v51;
	v29 =	vand.u32 $0x380, v25  }
0x74: {  	v25 =	vor.u32 v23, v49;
	v23 =	vor.u32 v29, v58;
	v58 =	vand.u32 $0x7F, v41  }
0x75: {  	v29 =	vand.u32 $0x7F, v53;
	v33 =	vor.u32 v58, v27;
	v27 =	vand.u32 $0x7F, v47  }
0x76: {  	v30 =	vor.u32 v29, v34;
	v29 =	vand.u32 $0x7F, v50;
	v38 =	vor.u32 v27, v19  }
0x77: {  	v36 =	vor.u32 v29, v22;
	v19 =	vand.u32 $0x7F, v56;
	v22 =	vand.u32 $0x7F, v59  }
0x78: {  	v27 =	vand.u32 $0x7F, v57;
	v32 =	vor.u32 v19, v18;
	v29 =	vor.u32 v22, v35  }
0x79: {  	v19 =	vor.u32 v26, v28;
	v18 =	vand.u32 $0x7F, v21;
	v21 =	vand.u32 $0x7F, v20  }
0x7a: {  	v26 =	vand.u32 $0x7F, v63;
	v20 =	vor.u32 v18, v48;
	v22 =	vor.u32 v21, v54  }
0x7b: {  	s17 =	simm.s32 $0x4180;
	s16 =	simm.s32 $0x0;
	[tilespmem:v17+s12+$0x0] =	vst.idx.msk vm0, v9;
	v21 =	vor.u32 v26, v55;
	v26 =	vand.u32 $0x7F, v60;
	v18 =	vand.u32 $0x7F, v62  }
.LBB2_4:
0x7c: {  	_ = 	snop  }
0x7d: {  	v35 =	vld [tilespmem:s17+$0x70]  }
0x7e: {  	v40 =	vor.u32 v27, v25;
	v41 =	vor.u32 v26, v24;
	v34 =	vor.u32 v18, v23;
	v24 =	vld [tilespmem:s17+$0xFFFFFF80]  }
0x7f: {  	vm10 =	vlt.u32 v5, $0x20;
	v23 =	vld [tilespmem:s17+$0xFFFFFF90];
	vm1 =	vlt.u32 v15, $0x20;
	vm0 =	vlt.u32 v16, $0x20  }
0x80: {  	s15 =	sadd.s32 $0x100, s15;
	v27 =	vld [tilespmem:s17+$0xFFFFFFC0];
	vm14 =	vlt.u32 v1, $0x20;
	vm13 =	vlt.u32 v3, $0x20;
	vm12 =	vlt.u32 v4, $0x20  }
0x81: {  	v18 =	vld [tilespmem:s15+$0x70];
	vm11 =	vlt.u32 v2, $0x20;
	vm9 =	vlt.u32 v6, $0x20;
	vm8 =	vlt.u32 v7, $0x20  }
0x82: {  	v28 =	vld [tilespmem:s17+$0xFFFFFFD0];
	vm7 =	vlt.u32 v8, $0x20;
	vm6 =	vlt.u32 v10, $0x20;
	vm5 =	vlt.u32 v11, $0x20  }
0x83: {  	v25 =	vld [tilespmem:s17+$0xFFFFFFA0];
	vm4 =	vlt.u32 v12, $0x20;
	vm3 =	vlt.u32 v13, $0x20;
	v2 =	vsub.s32 v24, v0  }
0x84: {  	v26 =	vld [tilespmem:s17+$0xFFFFFFB0];
	vm2 =	vlt.u32 v14, $0x20;
	v4 =	vsub.s32 v35, v0;
	v1 =	vsub.s32 v23, v0;
	[tilespmem:$0x1FF30] =	vst v2  }
0x85: {  	v42 =	vld [tilespmem:s17+$0x40];
	v7 =	vshll.u32 v35, $0x7;
	v24 =	vshll.u32 v24, $0x7;
	v23 =	vshll.u32 v23, $0x7;
	[tilespmem:$0x1FFC0] =	vst v1  }
0x86: {  	v44 =	vld [tilespmem:s17+$0x50];
	v3 =	vshll.u32 v4, $0xA;
	v5 =	vshll.u32 v18, $0x3;
	v11 =	vshll.u32 v2, $0xA;
	[tilespmem:v38+s12+$0x0] =	vst.idx.msk vm10, v9  }
0x87: {  	v46 =	vld [tilespmem:s17+$0x60];
	v2 =	vsub.s32 v27, v0;
	v13 =	vshll.u32 v1, $0xA;
	v1 =	vsub.s32 v28, v0;
	[tilespmem:v41+s12+$0x0] =	vst.idx.msk vm1, v9  }
0x88: {  	v35 =	vld [tilespmem:s17+$0x10];
	[tilespmem:v34+s12+$0x0] =	vst.idx.msk vm0, v9;
	v27 =	vshll.u32 v27, $0x7;
	v28 =	vshll.u32 v28, $0x7;
	v24 =	vand.u32 $0x380, v24  }
0x89: {  	v23 =	vand.u32 $0x380, v23;
	v6 =	vand.u32 $0xFFFFE000, v3;
	v5 =	vand.u32 $0xFFFFFC00, v5;
	[tilespmem:v30+s12+$0x0] =	vst.idx.msk vm14, v9;
	v30 =	vld [tilespmem:s17+$0xFFFFFFE0]  }
0x8a: {  	v3 =	vsub.s32 v25, v0;
	v16 =	vshll.u32 v2, $0xA;
	v17 =	vshll.u32 v1, $0xA;
	[tilespmem:v31+s12+$0x0] =	vst.idx.msk vm13, v9;
	v31 =	vld [tilespmem:s17+$0xFFFFFFF0]  }
0x8b: {  	v43 =	vand.u32 $0xFFFFE000, v11;
	v45 =	vand.u32 $0xFFFFE000, v13;
	v25 =	vshll.u32 v25, $0x7;
	[tilespmem:v33+s12+$0x0] =	vst.idx.msk vm12, v9;
	v33 =	vld [tilespmem:s17+$0x0]  }
0x8c: {  	v27 =	vand.u32 $0x380, v27;
	v5 =	vadd.s32 v5, v6;
	v6 =	vand.u32 $0x380, v7;
	[tilespmem:v37+s12+$0x0] =	vst.idx.msk vm11, v9;
	v37 =	vld [tilespmem:s17+$0x20]  }
0x8d: {  	v28 =	vand.u32 $0x380, v28;
	v7 =	vand.u32 $0x7F, v18;
	v6 =	vor.u32 v6, v5;
	[tilespmem:v22+s12+$0x0] =	vst.idx.msk vm4, v9;
	v22 =	vld [tilespmem:s15+$0xFFFFFFC0]  }
0x8e: {  	[tilespmem:$0x1FF80] =	vst v1;
	v14 =	vshll.u32 v3, $0xA;
	v51 =	vand.u32 $0xFFFFE000, v16;
	v12 =	vor.u32 v7, v6;
	v7 =	vld [tilespmem:s15+$0x50]  }
0x8f: {  	v53 =	vand.u32 $0xFFFFE000, v17;
	v17 =	vsub.s32 v44, v0;
	v16 =	vsub.s32 v46, v0;
	[tilespmem:v29+s12+$0x0] =	vst.idx.msk vm7, v9;
	v18 =	vld [tilespmem:s15+$0xFFFFFF90]  }
0x90: {  	v44 =	vshll.u32 v44, $0x7;
	v46 =	vshll.u32 v46, $0x7;
	v25 =	vand.u32 $0x380, v25;
	[tilespmem:v19+s12+$0x0] =	vst.idx.msk vm6, v9;
	v19 =	vld [tilespmem:s15+$0xFFFFFFA0]  }
0x91: {  	v47 =	vand.u32 $0xFFFFE000, v14;
	v56 =	vshll.u32 v17, $0xA;
	v58 =	vshll.u32 v16, $0xA;
	[tilespmem:v32+s12+$0x0] =	vst.idx.msk vm8, v9;
	v32 =	vld [tilespmem:s15+$0xFFFFFFF0]  }
0x92: {  	v44 =	vand.u32 $0x380, v44;
	v46 =	vand.u32 $0x380, v46;
	vm13 =	vlt.u32 v4, $0x20;
	[tilespmem:v20+s12+$0x0] =	vst.idx.msk vm5, v9;
	v34 =	vld [tilespmem:s15+$0x0]  }
0x93: {  	v4 =	vsub.s32 v26, v0;
	[tilespmem:v36+s12+$0x0] =	vst.idx.msk vm9, v9;
	v56 =	vand.u32 $0xFFFFE000, v56;
	v26 =	vshll.u32 v26, $0x7;
	v36 =	vld [tilespmem:s15+$0x10]  }
0x94: {  	[tilespmem:v40+s12+$0x0] =	vst.idx.msk vm2, v9;
	v58 =	vand.u32 $0xFFFFE000, v58;
	v15 =	vshll.u32 v4, $0xA;
	v38 =	vld [tilespmem:s15+$0x20];
	v26 =	vand.u32 $0x380, v26  }
0x95: {  	[tilespmem:$0x1FF70] =	vst v3;
	v5 =	vld [tilespmem:s15+$0x40];
	v49 =	vand.u32 $0xFFFFE000, v15;
	v3 =	vsub.s32 v30, v0;
	v1 =	vsub.s32 v31, v0  }
0x96: {  	v10 =	vld [tilespmem:s15+$0xFFFFFF80];
	v61 =	vshll.u32 v22, $0x3;
	v14 =	vshll.u32 v7, $0x3;
	v30 =	vshll.u32 v30, $0x7  }
0x97: {  	v39 =	vld [tilespmem:s17+$0x30];
	[tilespmem:v21+s12+$0x0] =	vst.idx.msk vm3, v9;
	v31 =	vshll.u32 v31, $0x7;
	v62 =	vshll.u32 v3, $0xA;
	v63 =	vshll.u32 v1, $0xA  }
0x98: {  	[tilespmem:$0x1FF90] =	vst v1;
	v1 =	vsub.s32 v33, v0;
	v40 =	vshll.u32 v18, $0x3;
	v41 =	vshll.u32 v19, $0x3  }
0x99: {  	[tilespmem:$0x1FF10] =	vst v4;
	v21 =	vld [tilespmem:s15+$0xFFFFFFD0];
	v61 =	vand.u32 $0xFFFFFC00, v61;
	v4 =	vshll.u32 v32, $0x3;
	v6 =	vshll.u32 v34, $0x3  }
0x9a: {  	v29 =	vld [tilespmem:s15+$0xFFFFFFE0];
	v8 =	vshll.u32 v36, $0x3;
	v11 =	vshll.u32 v38, $0x3;
	v13 =	vshll.u32 v5, $0x3  }
0x9b: {  	v14 =	vand.u32 $0xFFFFFC00, v14;
	v15 =	vshll.u32 v10, $0x3;
	v33 =	vshll.u32 v33, $0x7  }
0x9c: {  	v30 =	vand.u32 $0x380, v30;
	v31 =	vand.u32 $0x380, v31;
	v34 =	vand.u32 $0x7F, v34  }
0x9d: {  	[tilespmem:$0x1FF40] =	vst v1;
	v60 =	vshll.u32 v1, $0xA;
	v1 =	vsub.s32 v35, v0;
	v55 =	vand.u32 $0xFFFFE000, v62  }
0x9e: {  	v57 =	vand.u32 $0xFFFFE000, v63;
	v40 =	vand.u32 $0xFFFFFC00, v40;
	v62 =	vshll.u32 v21, $0x3  }
0x9f: {  	v20 =	vld [tilespmem:s15+$0xFFFFFFB0];
	v41 =	vand.u32 $0xFFFFFC00, v41;
	v63 =	vshll.u32 v29, $0x3;
	v4 =	vand.u32 $0xFFFFFC00, v4  }
0xa0: {  	v6 =	vand.u32 $0xFFFFFC00, v6;
	v8 =	vand.u32 $0xFFFFFC00, v8;
	v11 =	vand.u32 $0xFFFFFC00, v11  }
0xa1: {  	v13 =	vand.u32 $0xFFFFFC00, v13;
	v15 =	vand.u32 $0xFFFFFC00, v15;
	v35 =	vshll.u32 v35, $0x7  }
0xa2: {  	v61 =	vadd.s32 v61, v51;
	v14 =	vadd.s32 v14, v56;
	v33 =	vand.u32 $0x380, v33  }
0xa3: {  	[tilespmem:$0x1FFA0] =	vst v1;
	v48 =	vshll.u32 v1, $0xA;
	v1 =	vsub.s32 v37, v0;
	v59 =	vand.u32 $0xFFFFE000, v60  }
0xa4: {  	v60 =	vshll.u32 v20, $0x3;
	v62 =	vand.u32 $0xFFFFFC00, v62;
	v63 =	vand.u32 $0xFFFFFC00, v63  }
0xa5: {  	v37 =	vshll.u32 v37, $0x7;
	v15 =	vadd.s32 v15, v43;
	v40 =	vadd.s32 v40, v45  }
0xa6: {  	v41 =	vadd.s32 v41, v47;
	v4 =	vadd.s32 v4, v57;
	v35 =	vand.u32 $0x380, v35  }
0xa7: {  	v45 =	vor.u32 v27, v61;
	v27 =	vand.u32 $0x7F, v5;
	v50 =	vshll.u32 v1, $0xA  }
0xa8: {  	[tilespmem:$0x1FFB0] =	vst v1;
	v1 =	vsub.s32 v39, v0;
	v48 =	vand.u32 $0xFFFFE000, v48;
	v60 =	vand.u32 $0xFFFFFC00, v60  }
0xa9: {  	v39 =	vshll.u32 v39, $0x7;
	v53 =	vadd.s32 v62, v53;
	v6 =	vadd.s32 v6, v59  }
0xaa: {  	v37 =	vand.u32 $0x380, v37;
	v15 =	vor.u32 v24, v15;
	v40 =	vor.u32 v23, v40  }
0xab: {  	[tilespmem:$0x1FF20] =	vst v3;
	v3 =	vld [tilespmem:s15+$0x30];
	v41 =	vor.u32 v25, v41;
	v4 =	vor.u32 v31, v4;
	v24 =	vor.u32 v44, v14  }
0xac: {  	[tilespmem:v12+s12+$0x0] =	vst.idx.msk vm13, v9;
	v9 =	vld [tilespmem:s15+$0x60];
	v14 =	vand.u32 $0x7F, v20;
	v20 =	vand.u32 $0x7F, v21;
	v21 =	vand.u32 $0x7F, v29  }
0xad: {  	v62 =	vand.u32 $0x7F, v36;
	[tilespmem:$0x1FF50] =	vst v1;
	v52 =	vshll.u32 v1, $0xA;
	v1 =	vsub.s32 v42, v0  }
0xae: {  	v50 =	vand.u32 $0xFFFFE000, v50;
	v42 =	vshll.u32 v42, $0x7;
	v43 =	vadd.s32 v60, v49  }
0xaf: {  	v60 =	vadd.s32 v63, v55;
	v8 =	vadd.s32 v8, v48;
	v39 =	vand.u32 $0x380, v39  }
0xb0: {  	v28 =	vor.u32 v28, v53;
	v6 =	vor.u32 v33, v6;
	v63 =	vand.u32 $0x7F, v38  }
0xb1: {  	[tilespmem:$0x1FF60] =	vst v1;
	v54 =	vshll.u32 v1, $0xA;
	v12 =	vshll.u32 v3, $0x3;
	v1 =	vshll.u32 v9, $0x3  }
0xb2: {  	v11 =	vadd.s32 v11, v50;
	v42 =	vand.u32 $0x380, v42;
	v43 =	vor.u32 v26, v43  }
0xb3: {  	v5 =	vmovc v2;
	v2 =	vld [tilespmem:$0x1FF10];
	v61 =	vor.u32 v30, v60;
	v8 =	vor.u32 v35, v8;
	v26 =	vand.u32 $0x7F, v7  }
0xb4: {  	v7 =	vld [tilespmem:$0x1FF20];
	v36 =	vor.u32 v20, v28;
	v54 =	vand.u32 $0xFFFFE000, v54;
	v1 =	vand.u32 $0xFFFFFC00, v1  }
0xb5: {  	v11 =	vor.u32 v37, v11;
	v37 =	vor.u32 v14, v43;
	v14 =	vld [tilespmem:$0x1FF60];
	v1 =	vadd.s32 v1, v58  }
0xb6: {  	v20 =	vor.u32 v62, v8;
	v8 =	vld [tilespmem:$0x1FF90];
	v23 =	vor.u32 v46, v1;
	v1 =	vand.u32 $0x7F, v10  }
0xb7: {  	v13 =	vadd.s32 v13, v54;
	v10 =	vand.u32 $0x7F, v18;
	v30 =	vor.u32 v1, v15;
	v1 =	vld [tilespmem:$0x1FF30]  }
0xb8: {  	s16 =	sadd.s32 $0x10, s16;
	v25 =	vor.u32 v42, v13;
	v13 =	vand.u32 $0x7F, v19;
	v31 =	vor.u32 v10, v40;
	v10 =	vld [tilespmem:$0x1FF40]  }
0xb9: {  	p0 =	slt.u32 s16, $0x3F0;
	v19 =	vand.u32 $0x7F, v22;
	v22 =	vand.u32 $0x7F, v32;
	v33 =	vor.u32 v13, v41;
	v13 =	vld [tilespmem:$0x1FF50]  }
.Ltmp1:
0xba: {  	v52 =	vand.u32 $0xFFFFE000, v52;
	v12 =	vand.u32 $0xFFFFFC00, v12;
	v29 =	vor.u32 v22, v4;
	v4 =	vld [tilespmem:$0x1FF70];
	(pc) =	sbr.rel @p0 .LBB2_4-.Ltmp1, $4  }
0xbb: {  	v12 =	vadd.s32 v12, v52;
	v38 =	vor.u32 v19, v45;
	v19 =	vor.u32 v34, v6;
	v6 =	vld [tilespmem:$0x1FF80]  }
0xbc: {  	v3 =	vand.u32 $0x7F, v3;
	v12 =	vor.u32 v39, v12;
	v22 =	vor.u32 v63, v11;
	v11 =	vld [tilespmem:$0x1FFA0]  }
0xbd: {  	v32 =	vor.u32 v21, v61;
	v21 =	vor.u32 v3, v12;
	v12 =	vld [tilespmem:$0x1FFB0]  }
0xbe: {  	s17 =	sadd.s32 $0x100, s17;
	v18 =	vand.u32 $0x7F, v9;
	v9 =	vimm.f32 $1.000000000e+00;
	v15 =	vmov v17;
	v3 =	vld [tilespmem:$0x1FFC0]  }
0xbf: {  	vm0 =	vlt.u32 v1, $0x20  }
0xc0: {  	vm2 =	vlt.u32 v4, $0x20  }
0xc1: {  	vm3 =	vlt.u32 v2, $0x20  }
0xc2: {  	vm4 =	vlt.u32 v5, $0x20  }
0xc3: {  	vm6 =	vlt.u32 v7, $0x20  }
0xc4: {  	vm15 =	vlt.u32 v8, $0x20  }
0xc5: {  	vm9 =	vlt.u32 v10, $0x20;
	[tilespmem:v30+s12+$0x0] =	vst.idx.msk vm0, v9  }
0xc6: {  	vm12 =	vlt.u32 v13, $0x20;
	[tilespmem:v33+s12+$0x0] =	vst.idx.msk vm2, v9  }
0xc7: {  	vm13 =	vlt.u32 v14, $0x20;
	[tilespmem:v37+s12+$0x0] =	vst.idx.msk vm3, v9  }
0xc8: {  	v1 =	vor.u32 v27, v25;
	vm5 =	vlt.u32 v6, $0x20;
	[tilespmem:v38+s12+$0x0] =	vst.idx.msk vm4, v9  }
0xc9: {  	vm10 =	vlt.u32 v11, $0x20;
	[tilespmem:v32+s12+$0x0] =	vst.idx.msk vm6, v9  }
0xca: {  	vm11 =	vlt.u32 v12, $0x20;
	[tilespmem:v29+s12+$0x0] =	vst.idx.msk vm15, v9  }
0xcb: {  	vm14 =	vlt.u32 v15, $0x20;
	[tilespmem:v19+s12+$0x0] =	vst.idx.msk vm9, v9  }
0xcc: {  	vm1 =	vlt.u32 v3, $0x20;
	v3 =	vor.u32 v26, v24;
	[tilespmem:v21+s12+$0x0] =	vst.idx.msk vm12, v9  }
0xcd: {  	vm15 =	vlt.u32 v16, $0x20;
	[tilespmem:v1+s12+$0x0] =	vst.idx.msk vm13, v9  }
0xce: {  	v63 =	vor.u32 v18, v23;
	[tilespmem:v36+s12+$0x0] =	vst.idx.msk vm5, v9  }
0xcf: {  	[tilespmem:v20+s12+$0x0] =	vst.idx.msk vm10, v9  }
0xd0: {  	[tilespmem:v22+s12+$0x0] =	vst.idx.msk vm11, v9  }
0xd1: {  	s14 =	sadd.s32 $0x1, s14;
	[tilespmem:v3+s12+$0x0] =	vst.idx.msk vm14, v9  }
0xd2: {  	p0 =	sne.s32 s14, s6;
	[tilespmem:v31+s12+$0x0] =	vst.idx.msk vm1, v9  }
.Ltmp2:
0xd3: {  	[tilespmem:v63+s12+$0x0] =	vst.idx.msk vm15, v9;
	(pc) =	sbr.rel @p0 .LBB2_1-.Ltmp2, $4  }
0xd4: {  	[hbm4b:s5+s3] =	stream.linear.scatter [tilespmem:s12], [sflag:$0x3], $0x8000, $0x38;
	[tilespmem:$0x10000] =	vst v63  }
0xd5: {  	_ =	swait.ge [sflag:s13], $0x8000  }
0xd6: {  	[sflag:s13] =	ssyncset.done $0x0  }
0xd7: {  	v1 =	vimm.f32 $0.0e+00;
	[sflag:s13] =	ssyncadd.s32 $0xFFFF8000  }
0xd8: {  	_ =	sfence.sel $0x180000  }
0xd9: {  	[bflag:$0x0] =	sbarrier.arrive $0xFFFF  }
0xda: {  	p0 =	sne.s32 s0, $0x0;
	_ =	strace $0x90000047  }
0xdb: {  	s0 =	sadd.s32 @!p0 $0x100000, s1;
	[bflag:$0x2] =	sbarrier.arrive $0xFFFF  }
0xdc: {  	[sflag:s0] =	ssyncadd.tile.s32 @!p0 $0x1;
	_ =	shalt  }
.Lfunc_end2:
_tile_overlayer_lowered:
.L_overlay_start_2:
0xdd: {  	(tag) =	ssettag $0x2  }
0xde: {  	s0 =	rddreg [dreg:$0x0];
	s2 =	stileid.u32  }
0xdf: {  	s1 =	rddreg [dreg:$0x1];
	p0 =	sne.s32 s2, $0x0  }
0xe0: {  	s3 =	rddreg [dreg:$0x2];
	[bflag:$0x3] =	sbarrier.arrive $0xFFFF;
	s2 =	simm.s32 @!p0 $0x1C03  }
0xe1: {  	[timem:s3], [sflag:s2] =	dma.local @!p0 [hbm:s0], s1  }
0xe2: {  	s0 =	simm.s32 @!p0 $0x3  }
0xe3: {  	_ =	swait.ge @!p0 [sflag:s0], s1  }
0xe4: {  	s1 =	ssub.s32 @!p0 $0x0, s1;
	[sflag:s0] =	ssyncset.done @!p0 $0x0  }
0xe5: {  	[sflag:s0] =	ssyncadd.s32 @!p0 s1  }
0xe6: {  	[bflag:$0x3] =	sbarrier.arrive $0xFFFF  }
0xe7: {  	_ =	shalt  }

</sc_bundles>
